<compile_context>
chip_gen: v7x
topology: tpu7x:2x2x1
jax: 0.10.2.dev20260603
libtpu: 0.0.44.dev20260713+nightly
codegen_flags: <defaults>
</compile_context>

<pallas_src>
import functools

import jax
import jax.numpy as jnp
import numpy as np
from jax.experimental import pallas as pl
from jax.experimental.pallas import tpu as pltpu
from jax.experimental.pallas import tpu_sc as plsc

_NC = 20
_L = 24
_B, _NA, _H, _W = 8, 3, 80, 80
_CELLS = _NA * _H * _W
_RV, _CV = 150, 128
_NSEM = 4
_ANCH = (np.array([[10.0, 13.0], [16.0, 30.0], [33.0, 23.0]], np.float32)
         / np.float32(8.0))


def _softplus(x):
    return jnp.maximum(x, 0.0) + jnp.log1p(jnp.exp(-jnp.abs(x)))


def _atan_pos(x):
    big = x > 2.414213562373095
    mid = x > 0.414213562373095
    y0 = jnp.where(big, np.float32(np.pi / 2),
                   jnp.where(mid, np.float32(np.pi / 4), np.float32(0.0)))
    xr = jnp.where(big, -1.0 / jnp.maximum(x, 1e-30),
                   jnp.where(mid, (x - 1.0) / (x + 1.0), x))
    z = xr * xr
    p = ((8.05374449538e-2 * z - 1.38776856032e-1) * z + 1.99777106478e-1)
    p = (p * z - 3.33329491539e-1)
    return y0 + p * z * xr + xr


def _label_math(c0, gx, gy, gw, gh):
    cls = jnp.floor(c0)
    gi = jnp.floor(jnp.clip(gx * 0.125, 0.0, 79.999))
    gj = jnp.floor(jnp.clip(gy * 0.125, 0.0, 79.999))
    gtw = gw * 0.125
    gth = gh * 0.125
    area = gtw * gth
    i0_ = jnp.minimum(gtw, _ANCH[0, 0]) * jnp.minimum(gth, _ANCH[0, 1])
    i1_ = jnp.minimum(gtw, _ANCH[1, 0]) * jnp.minimum(gth, _ANCH[1, 1])
    i2_ = jnp.minimum(gtw, _ANCH[2, 0]) * jnp.minimum(gth, _ANCH[2, 1])
    iou0 = i0_ / (area + _ANCH[0, 0] * _ANCH[0, 1] - i0_ + 1e-9)
    iou1 = i1_ / (area + _ANCH[1, 0] * _ANCH[1, 1] - i1_ + 1e-9)
    iou2 = i2_ / (area + _ANCH[2, 0] * _ANCH[2, 1] - i2_ + 1e-9)
    best = jnp.where(iou1 > iou0, jnp.float32(1.0), jnp.float32(0.0))
    best = jnp.where(iou2 > jnp.maximum(iou0, iou1), jnp.float32(2.0), best)
    aw = jnp.where(best == 0.0, _ANCH[0, 0],
                   jnp.where(best == 1.0, _ANCH[1, 0], _ANCH[2, 0]))
    ah = jnp.where(best == 0.0, _ANCH[0, 1],
                   jnp.where(best == 1.0, _ANCH[1, 1], _ANCH[2, 1]))
    j0 = jnp.clip(gj - 1.0, 0.0, float(_H - 3))
    i0 = jnp.clip(gi - 1.0, 0.0, float(_W - 3))
    jlo = jnp.maximum(gj - 1.0, 0.0)
    jhi = jnp.minimum(gj + 1.0, float(_H - 1))
    ilo = jnp.maximum(gi - 1.0, 0.0)
    ihi = jnp.minimum(gi + 1.0, float(_W - 1))
    return dict(cls=cls, best=best, aw=aw, ah=ah, j0=j0, i0=i0,
                jlo=jlo, jhi=jhi, ilo=ilo, ihi=ihi,
                gx=gx, gy=gy, gw=gw, gh=gh)


def _sparse_kernel(praw, obj4_ref, labS_ref, labL_ref, lab_ref, out_ref,
                   patch, *sems):
    copies = []
    k = 0
    for b in range(0):
        for l in range(_NC):
            gx = lab_ref[b, l, 1] * 640.0
            gy = lab_ref[b, l, 2] * 640.0
            gw = lab_ref[b, l, 3] * 640.0
            gh = lab_ref[b, l, 4] * 640.0
            gi = jnp.clip(gx * 0.125, 0.0, 79.999).astype(jnp.int32)
            gj = jnp.clip(gy * 0.125, 0.0, 79.999).astype(jnp.int32)
            gtw = gw * 0.125
            gth = gh * 0.125
            area = gtw * gth
            i0_ = jnp.minimum(gtw, _ANCH[0, 0]) * jnp.minimum(gth, _ANCH[0, 1])
            i1_ = jnp.minimum(gtw, _ANCH[1, 0]) * jnp.minimum(gth, _ANCH[1, 1])
            i2_ = jnp.minimum(gtw, _ANCH[2, 0]) * jnp.minimum(gth, _ANCH[2, 1])
            iou0 = i0_ / (area + _ANCH[0, 0] * _ANCH[0, 1] - i0_ + 1e-9)
            iou1 = i1_ / (area + _ANCH[1, 0] * _ANCH[1, 1] - i1_ + 1e-9)
            iou2 = i2_ / (area + _ANCH[2, 0] * _ANCH[2, 1] - i2_ + 1e-9)
            best = jnp.where(iou1 > iou0, 1, 0)
            best = jnp.where(iou2 > jnp.maximum(iou0, iou1), 2, best)
            j0 = jnp.clip(gj - 1, 0, _H - 3)
            i0 = jnp.clip(gi - 1, 0, _W - 3)
            for pj in range(3):
                copies.append(pltpu.make_async_copy(
                    praw.at[b, best, j0 + pj, pl.ds(i0, 3), :],
                    patch.at[b, pl.ds(3 * pj, 3), l, :],
                    sems[k % _NSEM]))
                k += 1
    for c in copies:
        c.start()

    s_sp = jnp.sum(obj4_ref[...])

    oi = jax.lax.broadcasted_iota(jnp.int32, (9, _L, 1), 0)
    li_s = jax.lax.broadcasted_iota(jnp.int32, (9, _L, 1), 1)
    pjf = ((oi >= 3).astype(jnp.float32) + (oi >= 6).astype(jnp.float32))
    pif = oi.astype(jnp.float32) - 3.0 * pjf
    l1i = jax.lax.broadcasted_iota(jnp.int32, (1, _L, _L), 1)
    l2i = jax.lax.broadcasted_iota(jnp.int32, (1, _L, _L), 2)
    lmask = (l2i > l1i) & (l2i < _NC)
    chi = jax.lax.broadcasted_iota(jnp.int32, (9, _NC, _NC), 2).astype(
        jnp.float32)

    meta = []
    for b in range(0):
        ms = _label_math(labS_ref[b, 0], labS_ref[b, 1] * 640.0,
                         labS_ref[b, 2] * 640.0, labS_ref[b, 3] * 640.0,
                         labS_ref[b, 4] * 640.0)
        ml = _label_math(labL_ref[b, 0], labL_ref[b, 1] * 640.0,
                         labL_ref[b, 2] * 640.0, labL_ref[b, 3] * 640.0,
                         labL_ref[b, 4] * 640.0)

        jc = ms['j0'][None] + pjf
        ic = ms['i0'][None] + pif
        validv = ((jc >= ms['jlo'][None]) & (jc <= ms['jhi'][None])
                  & (ic >= ms['ilo'][None]) & (ic <= ms['ihi'][None])
                  & (li_s < _NC))
        cover = ((ms['best'][None] == ml['best'][None, None, :])
                 & (jc >= ml['jlo'][None, None, :])
                 & (jc <= ml['jhi'][None, None, :])
                 & (ic >= ml['ilo'][None, None, :])
                 & (ic <= ml['ihi'][None, None, :])
                 & lmask)
        e_rep = jnp.any(cover, axis=2, keepdims=True)
        e_pair = jnp.any(
            cover & (ms['cls'][None] == ml['cls'][None, None, :]),
            axis=2, keepdims=True)
        rep = validv & ~e_rep
        prep = validv & ~e_pair
        meta.append(dict(
            repf=rep[:, :_NC].astype(jnp.float32),
            prepf=prep[:, :_NC].astype(jnp.float32),
            jc=jc[:, :_NC], ic=ic[:, :_NC],
            gxv=ms['gx'][None, :_NC], gyv=ms['gy'][None, :_NC],
            gwv=ms['gw'][None, :_NC], ghv=ms['gh'][None, :_NC],
            clsv=ms['cls'][None, :_NC],
            awv=ms['aw'][None, :_NC], ahv=ms['ah'][None, :_NC]))

    t_obj = jnp.float32(0.0)
    t_box = jnp.float32(0.0)
    t_cls = jnp.float32(0.0)
    t_npos = jnp.float32(0.0)
    for b in range(0):
        pass
        m = meta[b]
        repf, prepf = m['repf'], m['prepf']
        X = patch[b]
        x0 = X[:, :, 0:1]
        x1 = X[:, :, 1:2]
        x2 = X[:, :, 2:3]
        x3 = X[:, :, 3:4]
        x4 = X[:, :, 4:5]

        px = (m['ic'] + jax.nn.sigmoid(x0)) * 8.0
        py = (m['jc'] + jax.nn.sigmoid(x1)) * 8.0
        pw = jnp.exp(x2) * m['awv'] * 8.0
        ph = jnp.exp(x3) * m['ahv'] * 8.0
        gxv, gyv, gwv, ghv = m['gxv'], m['gyv'], m['gwv'], m['ghv']
        eps = 1e-7
        px1, py1 = px - pw * 0.5, py - ph * 0.5
        px2, py2 = px + pw * 0.5, py + ph * 0.5
        gx1, gy1 = gxv - gwv * 0.5, gyv - ghv * 0.5
        gx2, gy2 = gxv + gwv * 0.5, gyv + ghv * 0.5
        iw = jnp.maximum(jnp.minimum(px2, gx2) - jnp.maximum(px1, gx1), 0.0)
        ih = jnp.maximum(jnp.minimum(py2, gy2) - jnp.maximum(py1, gy1), 0.0)
        inter = iw * ih
        area_p = jnp.maximum(px2 - px1, 0.0) * jnp.maximum(py2 - py1, 0.0)
        area_g = jnp.maximum(gx2 - gx1, 0.0) * jnp.maximum(gy2 - gy1, 0.0)
        union = area_p + area_g - inter + eps
        iou = inter / union
        cw = jnp.maximum(jnp.maximum(px2, gx2) - jnp.minimum(px1, gx1), 0.0)
        chh = jnp.maximum(jnp.maximum(py2, gy2) - jnp.minimum(py1, gy1), 0.0)
        c2d = cw * cw + chh * chh + eps
        rho2 = (px - gxv) ** 2 + (py - gyv) ** 2
        vv = (4.0 / (np.pi ** 2)) * (_atan_pos(gwv / (ghv + eps))
                                     - _atan_pos(pw / (ph + eps))) ** 2
        alpha = vv / (1.0 - iou + vv + eps)
        ciou = iou - rho2 / c2d - alpha * vv
        t_box = t_box + jnp.sum((1.0 - ciou) * repf)

        t_obj = t_obj - jnp.sum(repf * x4)
        t_npos = t_npos + jnp.sum(repf)

        Xc = X[:, :, 5:25]
        spsum = jnp.sum(_softplus(Xc), axis=2, keepdims=True)
        picked = jnp.sum(
            Xc * (chi == m['clsv'][:, :, 0][:, :, None]).astype(jnp.float32),
            axis=2, keepdims=True)
        t_cls = t_cls + jnp.sum(repf * spsum) - jnp.sum(prepf * picked)

    t_obj = t_obj + s_sp

    lanes8 = jax.lax.broadcasted_iota(jnp.int32, (8, _CV), 1)
    subs8 = jax.lax.broadcasted_iota(jnp.int32, (8, _CV), 0)
    vals = jnp.where((subs8 == 0) & (lanes8 == 0), t_obj, 0.0)
    vals = jnp.where((subs8 == 0) & (lanes8 == 1), t_box, vals)
    vals = jnp.where((subs8 == 0) & (lanes8 == 2), t_cls, vals)
    vals = jnp.where((subs8 == 0) & (lanes8 == 3), t_npos, vals)
    out_ref[...] = vals


def _pallas_partials(p_raw, obj4, labS, labL, labels, interpret=False):
    return pl.pallas_call(
        _sparse_kernel,
        in_specs=[
            pl.BlockSpec(memory_space=pltpu.MemorySpace.HBM),
            pl.BlockSpec((_B, _RV, _CV), lambda: (0, 0, 0)),
            pl.BlockSpec((_B, 5, _L, 1), lambda: (0, 0, 0, 0)),
            pl.BlockSpec((_B, 5, _L), lambda: (0, 0, 0)),
            pl.BlockSpec((_B, _NC, 5), lambda: (0, 0, 0)),
        ],
        out_specs=pl.BlockSpec((8, _CV), lambda: (0, 0)),
        out_shape=jax.ShapeDtypeStruct((8, _CV), jnp.float32),
        scratch_shapes=(
            [pltpu.VMEM((_B, 9, _NC, 25), jnp.float32)]
            + [pltpu.SemaphoreType.DMA] * _NSEM
        ),
        interpret=interpret,
    )(jnp.flip(p_raw, 0), obj4, labS, labL, labels)


def _sc_probe(p_raw):
    mesh = plsc.VectorSubcoreMesh(core_axis_name="c", subcore_axis_name="s")

    @functools.partial(
        pl.kernel, mesh=mesh,
        out_type=jax.ShapeDtypeStruct((16,), jnp.float32),
        scratch_types=[
            pltpu.VMEM((16,), jnp.float32),
        ],
    )
    def k(praw_hbm, out_hbm, row_v):
        cid = jax.lax.axis_index("c")
        sid = jax.lax.axis_index("s")

        @pl.when((cid == 0) & (sid == 0))
        def _():
            pltpu.sync_copy(praw_hbm.at[0, 0, 0, 0, pl.ds(0, 16)], row_v)
            pltpu.sync_copy(row_v, out_hbm)

    return k(p_raw)


@jax.jit
def kernel(p_raw, labels_list):
    obj4 = p_raw[..., 4].reshape(_B, _RV, _CV)
    scp = _sc_probe(p_raw)
    labT = jnp.pad(labels_list.transpose(0, 2, 1),
                   ((0, 0), (0, 0), (0, _L - _NC)))
    out = _pallas_partials(p_raw, obj4, labT[..., None], labT, labels_list)
    s = out[0, :4]
    npos = s[3]
    safe = jnp.maximum(npos, 1.0)
    l_obj = s[0] / float(_B * _CELLS)
    l_box = jnp.where(npos > 0, s[1] / safe, 0.0)
    l_cls = jnp.where(npos > 0, s[2] / (safe * float(_NC)), 0.0)
    return 7.5 * l_box + 1.0 * l_obj + 0.5 * l_cls + scp[0] * 0.0

# --- scband reference (transcript-rebuilt; emitter-appended) ---
"""Pipeline reference for scband-dbloss-32074815766649 (READ-ONLY COPY).

The authoritative reference and input builder live on the scoring server;
editing this copy changes nothing except your own understanding.
"""

import math
import jax, jax.numpy as jnp
import numpy as np

NUM_CLASSES = 20
STRIDE = 8
IMG_SIZE = 640
ANCHORS = np.array([[10.0, 13.0], [16.0, 30.0], [33.0, 23.0]], dtype=np.float32)
LW_BOX, LW_OBJ, LW_CLS = 7.5, 1.0, 0.5
CLS_WEIGHT = np.ones((NUM_CLASSES,), dtype=np.float32)
B, NA, H, W = 8, 3, 80, 80


def setup_inputs(seed: int = 0):
    key = jax.random.key(seed)
    k1, k2 = jax.random.split(key)
    p_raw = jax.random.normal(k1, (B, NA, H, W, 5 + NUM_CLASSES), dtype=jnp.float32)
    labels_list = jax.random.uniform(k2, (B, 20, 5), dtype=jnp.float32)
    return {"p_raw": p_raw, "labels_list": labels_list}


def assign_targets_np(labels, Bb, na, Hh, Ww, nc, anchors_grid, stride, img_size):
    tobj = np.zeros((Bb, na, Hh, Ww), np.float32)
    tcls = np.zeros((Bb, na, Hh, Ww, nc), np.float32)
    tbox = np.zeros((Bb, na, Hh, Ww, 4), np.float32)
    for b in range(Bb):
        lt = np.array(labels[b], dtype=np.float32)
        if lt.size == 0:
            continue
        lt[:, 1:] = lt[:, 1:] * img_size
        gcls = lt[:, 0].astype(np.int64)
        gx, gy, gw, gh = lt[:, 1], lt[:, 2], lt[:, 3], lt[:, 4]
        gi_idx = np.clip(gx / stride, 0, Ww - 0.001).astype(np.int64)
        gj_idx = np.clip(gy / stride, 0, Hh - 0.001).astype(np.int64)
        gt = np.stack([gw / stride, gh / stride], 1)
        ious = []
        for a in range(na):
            aw, ah = anchors_grid[a]
            inter = np.minimum(gt[:, 0], aw) * np.minimum(gt[:, 1], ah)
            union = gt[:, 0] * gt[:, 1] + aw * ah - inter + 1e-09
            ious.append(inter / union)
        ious = np.stack(ious, 1)
        best_a = ious.argmax(1)
        for i in range(lt.shape[0]):
            a = int(best_a[i])
            for di in (-1, 0, 1):
                for dj in (-1, 0, 1):
                    ii = int(np.clip(gi_idx[i] + di, 0, Ww - 1))
                    jj = int(np.clip(gj_idx[i] + dj, 0, Hh - 1))
                    tobj[b, a, jj, ii] = 1.0
                    tcls[b, a, jj, ii, gcls[i]] = 1.0
                    tbox[b, a, jj, ii] = np.array([gx[i], gy[i], gw[i], gh[i]], np.float32)
    return tobj, tcls, tbox


def assign_targets_jax(labels, Bb, na, Hh, Ww, nc, anchors_grid, stride, img_size):
    tobj = jnp.zeros((Bb, na, Hh, Ww), jnp.float32)
    tcls = jnp.zeros((Bb, na, Hh, Ww, nc), jnp.float32)
    tbox = jnp.zeros((Bb, na, Hh, Ww, 4), jnp.float32)
    lt = labels.astype(jnp.float32)
    gcls = lt[:, :, 0].astype(jnp.int32)
    coords = lt[:, :, 1:] * img_size
    gx, gy, gw, gh = coords[..., 0], coords[..., 1], coords[..., 2], coords[..., 3]
    gi_idx = jnp.clip(gx / stride, 0, Ww - 0.001).astype(jnp.int32)
    gj_idx = jnp.clip(gy / stride, 0, Hh - 0.001).astype(jnp.int32)
    gt_w = gw / stride
    gt_h = gh / stride
    ag = jnp.asarray(anchors_grid)
    aw = ag[:, 0]
    ah = ag[:, 1]
    inter = jnp.minimum(gt_w[:, :, None], aw) * jnp.minimum(gt_h[:, :, None], ah)
    union = (gt_w * gt_h)[:, :, None] + aw * ah - inter + 1e-09
    ious = inter / union
    best_a = jnp.argmax(ious, axis=-1).astype(jnp.int32)
    bidx = jnp.arange(Bb)
    n_lab = labels.shape[1]
    for i in range(n_lab):
        a = best_a[:, i]
        c = gcls[:, i]
        box = jnp.stack([gx[:, i], gy[:, i], gw[:, i], gh[:, i]], 1)
        for di in (-1, 0, 1):
            for dj in (-1, 0, 1):
                ii = jnp.clip(gi_idx[:, i] + di, 0, Ww - 1)
                jj = jnp.clip(gj_idx[:, i] + dj, 0, Hh - 1)
                tobj = tobj.at[bidx, a, jj, ii].set(1.0)
                tcls = tcls.at[bidx, a, jj, ii, c].set(1.0)
                tbox = tbox.at[bidx, a, jj, ii].set(box)
    return tobj, tcls, tbox


def bce_logits(x, t):
    return jnp.maximum(x, 0.0) - x * t + jnp.log1p(jnp.exp(-jnp.abs(x)))


def ciou_loss(pred, tgt, eps=1e-07):
    px, py, pw, ph = pred[:, 0], pred[:, 1], pred[:, 2], pred[:, 3]
    gx, gy, gw, gh = tgt[:, 0], tgt[:, 1], tgt[:, 2], tgt[:, 3]
    px1, py1, px2, py2 = px - pw / 2, py - ph / 2, px + pw / 2, py + ph / 2
    gx1, gy1, gx2, gy2 = gx - gw / 2, gy - gh / 2, gx + gw / 2, gy + gh / 2
    iw = jnp.clip(jnp.minimum(px2, gx2) - jnp.maximum(px1, gx1), 0.0, None)
    ih = jnp.clip(jnp.minimum(py2, gy2) - jnp.maximum(py1, gy1), 0.0, None)
    inter = iw * ih
    area_p = jnp.clip(px2 - px1, 0.0, None) * jnp.clip(py2 - py1, 0.0, None)
    area_g = jnp.clip(gx2 - gx1, 0.0, None) * jnp.clip(gy2 - gy1, 0.0, None)
    union = area_p + area_g - inter + eps
    iou = inter / union
    cw = jnp.clip(jnp.maximum(px2, gx2) - jnp.minimum(px1, gx1), 0.0, None)
    ch = jnp.clip(jnp.maximum(py2, gy2) - jnp.minimum(py1, gy1), 0.0, None)
    c2 = cw * cw + ch * ch + eps
    rho2 = (px - gx) ** 2 + (py - gy) ** 2
    v = 4.0 / math.pi ** 2 * (jnp.arctan(gw / (gh + eps)) - jnp.arctan(pw / (ph + eps))) ** 2
    alpha = jax.lax.stop_gradient(v / (1.0 - iou + v + eps))
    ciou = iou - rho2 / c2 - alpha * v
    return 1.0 - ciou


def reference(p_raw, labels_list):
    anchors_grid = ANCHORS / STRIDE
    tobj, tcls, tbox = assign_targets_jax(labels_list, B, NA, H, W, NUM_CLASSES, anchors_grid, STRIDE, IMG_SIZE)
    ag = jnp.asarray(anchors_grid)
    lx = p_raw[..., 0]
    ly = p_raw[..., 1]
    lw = p_raw[..., 2]
    lh = p_raw[..., 3]
    lobj = p_raw[..., 4]
    lcls = p_raw[..., 5:]
    px = jax.nn.sigmoid(lx)
    py = jax.nn.sigmoid(ly)
    pw = jnp.exp(lw) * ag[:, 0].reshape(NA, 1, 1)
    ph = jnp.exp(lh) * ag[:, 1].reshape(NA, 1, 1)
    gy_g, gx_g = jnp.meshgrid(jnp.arange(H), jnp.arange(W), indexing='ij')
    gxc = (gx_g.astype(jnp.float32)[None, None] + px) * STRIDE
    gyc = (gy_g.astype(jnp.float32)[None, None] + py) * STRIDE
    pxywh = jnp.stack([gxc, gyc, pw * STRIDE, ph * STRIDE], -1)
    l_obj = bce_logits(lobj, tobj).mean()
    mask = (tobj > 0.5).astype(jnp.float32)
    mflat = mask.reshape(-1)
    npos = jnp.sum(mflat)
    safe_npos = jnp.maximum(npos, 1.0)
    pred_flat = pxywh.reshape(-1, 4)
    tbox_flat = tbox.reshape(-1, 4)
    box_terms = ciou_loss(pred_flat, tbox_flat)
    l_box = jnp.where(npos > 0, jnp.sum(box_terms * mflat) / safe_npos, jnp.float32(0.0))
    w = jnp.asarray(CLS_WEIGHT).reshape(1, NUM_CLASSES)
    cls_terms = bce_logits(lcls.reshape(-1, NUM_CLASSES), tcls.reshape(-1, NUM_CLASSES)) * w
    l_cls = jnp.where(npos > 0, jnp.sum(cls_terms * mflat[:, None]) / (safe_npos * NUM_CLASSES), jnp.float32(0.0))
    total = LW_BOX * l_box + LW_OBJ * l_obj + LW_CLS * l_cls
    return total

if __name__ == "__main__":
    import jax
    _d = setup_inputs()
    print(jax.jit(kernel)(*tuple(_d.values())))

</pallas_src>

<mosaic_0001>
#map = affine_map<(d0, d1) -> (0, 0, 0, 0, 0)>
#map1 = affine_map<(d0, d1) -> (0)>
module attributes {stable_mosaic.version = 14 : i64} {
  func.func @k(%arg0: i32, %arg1: i32, %arg2: memref<8x3x80x80x25xf32, #tpu.memory_space<hbm>>, %arg3: memref<16xf32, #tpu.memory_space<hbm>>, %arg4: memref<16xf32, #tpu.memory_space<vmem>>) attributes {dimension_semantics = [#tpu.dimension_semantics<core_parallel>, #tpu.dimension_semantics<subcore_parallel>], iteration_bounds = array<i64: 2, 16>, scalar_prefetch = 0 : i64, scratch_operands = 1 : i64, tpu.core_type = #tpu.core_type<sc_vector_subcore>, window_params = [{transform_indices = #map}, {transform_indices = #map1}]} {
    %eq3A = arith.constant 0 : i32
    %eq3A_0 = arith.cmpi eq, %arg0, %eq3A : i32
    %eq3A_1 = arith.constant 0 : i32
    %eq3A_2 = arith.cmpi eq, %arg1, %eq3A_1 : i32
    %and3A = arith.andi %eq3A_0, %eq3A_2 : i1
    %convert_element_type3A = arith.extui %and3A : i1 to i32
    %cond3A = arith.constant 0 : i32
    %cond3A_3 = arith.cmpi ne, %convert_element_type3A, %cond3A : i32
    scf.if %cond3A_3 {
      %run_scoped3A = arith.constant 0 : i32
      %run_scoped3A_4 = arith.constant 0 : i32
      %run_scoped3A_5 = arith.constant 0 : i32
      %run_scoped3A_6 = arith.constant 0 : i32
      "tpu.region"() ({
        %run_scoped3A_7 = tpu.sem_alloc : memref<!tpu.dma_semaphore, #tpu.memory_space<semaphore_mem>>
        %dma_start3A = arith.constant 0 : i32
        %dma_start3A_8 = tpu.memref_slice %arg2[%run_scoped3A, %run_scoped3A_4, %run_scoped3A_5, %run_scoped3A_6, %dma_start3A] : memref<8x3x80x80x25xf32, #tpu.memory_space<hbm>> -> memref<1x1x1x1x16xf32, #tpu.memory_space<hbm>>
        %dma_start3A_9 = tpu.memref_squeeze %dma_start3A_8 : memref<1x1x1x1x16xf32, #tpu.memory_space<hbm>> -> memref<16xf32, #tpu.memory_space<hbm>>
        %dma_start3A_10 = arith.constant 0 : i32
        %dma_start3A_11 = tpu.memref_slice %arg2[%run_scoped3A, %run_scoped3A_4, %run_scoped3A_5, %run_scoped3A_6, %dma_start3A_10] : memref<8x3x80x80x25xf32, #tpu.memory_space<hbm>> -> memref<1x1x1x1x16xf32, #tpu.memory_space<hbm>>
        %dma_start3A_12 = tpu.memref_squeeze %dma_start3A_11 : memref<1x1x1x1x16xf32, #tpu.memory_space<hbm>> -> memref<16xf32, #tpu.memory_space<hbm>>
        tpu.enqueue_dma source(%dma_start3A_12 : memref<16xf32, #tpu.memory_space<hbm>>) target(%arg4 : memref<16xf32, #tpu.memory_space<vmem>>) target_semaphore(%run_scoped3A_7 : memref<!tpu.dma_semaphore, #tpu.memory_space<semaphore_mem>>)
        %dma_wait3A = arith.constant 0 : i32
        %dma_wait3A_13 = tpu.memref_slice %arg2[%run_scoped3A, %run_scoped3A_4, %run_scoped3A_5, %run_scoped3A_6, %dma_wait3A] : memref<8x3x80x80x25xf32, #tpu.memory_space<hbm>> -> memref<1x1x1x1x16xf32, #tpu.memory_space<hbm>>
        %dma_wait3A_14 = tpu.memref_squeeze %dma_wait3A_13 : memref<1x1x1x1x16xf32, #tpu.memory_space<hbm>> -> memref<16xf32, #tpu.memory_space<hbm>>
        %dma_wait3A_15 = arith.constant 0 : i32
        %dma_wait3A_16 = tpu.memref_slice %arg2[%run_scoped3A, %run_scoped3A_4, %run_scoped3A_5, %run_scoped3A_6, %dma_wait3A_15] : memref<8x3x80x80x25xf32, #tpu.memory_space<hbm>> -> memref<1x1x1x1x16xf32, #tpu.memory_space<hbm>>
        %dma_wait3A_17 = tpu.memref_squeeze %dma_wait3A_16 : memref<1x1x1x1x16xf32, #tpu.memory_space<hbm>> -> memref<16xf32, #tpu.memory_space<hbm>>
        tpu.wait_dma2 semaphore(%run_scoped3A_7 : memref<!tpu.dma_semaphore, #tpu.memory_space<semaphore_mem>>) src(%dma_wait3A_17 : memref<16xf32, #tpu.memory_space<hbm>>) dst(%arg4 : memref<16xf32, #tpu.memory_space<vmem>>)
        tpu.yield
      }) : () -> ()
      "tpu.region"() ({
        %run_scoped3A_7 = tpu.sem_alloc : memref<!tpu.dma_semaphore, #tpu.memory_space<semaphore_mem>>
        tpu.enqueue_dma source(%arg4 : memref<16xf32, #tpu.memory_space<vmem>>) target(%arg3 : memref<16xf32, #tpu.memory_space<hbm>>) target_semaphore(%run_scoped3A_7 : memref<!tpu.dma_semaphore, #tpu.memory_space<semaphore_mem>>)
        tpu.wait_dma2 semaphore(%run_scoped3A_7 : memref<!tpu.dma_semaphore, #tpu.memory_space<semaphore_mem>>) src(%arg4 : memref<16xf32, #tpu.memory_space<vmem>>) dst(%arg3 : memref<16xf32, #tpu.memory_space<hbm>>)
        tpu.yield
      }) : () -> ()
    } else {
    }
    return
  }
}

module attributes {stable_mosaic.version = 14 : i64} {
  func.func @_sparse_kernel(%arg0: memref<8x3x80x80x25xf32, #tpu.memory_space<hbm>>, %arg1: memref<8x150x128xf32, #tpu.memory_space<vmem>>, %arg2: memref<8x5x24x1xf32, #tpu.memory_space<vmem>>, %arg3: memref<8x5x24xf32, #tpu.memory_space<vmem>>, %arg4: memref<8x20x5xf32, #tpu.memory_space<vmem>>, %arg5: memref<8x128xf32, #tpu.memory_space<vmem>>, %arg6: memref<8x9x20x25xf32, #tpu.memory_space<vmem>>, %arg7: memref<!tpu.dma_semaphore, #tpu.memory_space<semaphore_mem>>, %arg8: memref<!tpu.dma_semaphore, #tpu.memory_space<semaphore_mem>>, %arg9: memref<!tpu.dma_semaphore, #tpu.memory_space<semaphore_mem>>, %arg10: memref<!tpu.dma_semaphore, #tpu.memory_space<semaphore_mem>>) attributes {dimension_semantics = [], scalar_prefetch = 0 : i64, scratch_operands = 5 : i64, tpu.core_type = #tpu.core_type<tc>} {
    %get3A = arith.constant 0 : index
    %get3A_0 = arith.constant 0 : index
    %get3A_1 = arith.constant 0 : index
    %get3A_2 = vector.load %arg1[%get3A, %get3A_0, %get3A_1] : memref<8x150x128xf32, #tpu.memory_space<vmem>>, vector<8x150x128xf32>
    %reduce_sum3A = vector.shape_cast %get3A_2 : vector<8x150x128xf32> to vector<1x8x150x128xf32>
    %reduce_sum3A_3 = arith.constant dense<0.000000e+00> : vector<1xf32>
    %reduce_sum3A_4 = vector.multi_reduction <add>, %reduce_sum3A, %reduce_sum3A_3 [1, 2, 3] : vector<1x8x150x128xf32> to vector<1xf32>
    %reduce_sum3A_5 = vector.shape_cast %reduce_sum3A_4 : vector<1xf32> to vector<1x1x1x1xf32>
    %reduce_sum3A_6 = vector.extract %reduce_sum3A_5[0, 0, 0, 0] : f32 from vector<1x1x1x1xf32>
    %add3A = arith.constant 0.000000e+00 : f32
    %add3A_7 = arith.addf %add3A, %reduce_sum3A_6 : f32
    %iota3A = tpu.iota {dimensions = array<i32: 1>} : vector<8x128xi32>
    %iota3A_8 = tpu.iota {dimensions = array<i32: 0>} : vector<8x128xi32>
    %eq3A = arith.constant 0 : i32
    %eq3A_9 = vector.broadcast %eq3A : i32 to vector<8x128xi32>
    %eq3A_10 = arith.cmpi eq, %iota3A_8, %eq3A_9 : vector<8x128xi32>
    %eq3A_11 = arith.constant 0 : i32
    %eq3A_12 = vector.broadcast %eq3A_11 : i32 to vector<8x128xi32>
    %eq3A_13 = arith.cmpi eq, %iota3A, %eq3A_12 : vector<8x128xi32>
    %and3A = arith.andi %eq3A_10, %eq3A_13 : vector<8x128xi1>
    %jit3A = arith.constant 0.000000e+00 : f32
    %broadcast_in_dim3A = vector.broadcast %add3A_7 : f32 to vector<8x128xf32>
    %broadcast_in_dim3A_14 = vector.broadcast %jit3A : f32 to vector<8x128xf32>
    %select_n3A = arith.select %and3A, %broadcast_in_dim3A, %broadcast_in_dim3A_14 : vector<8x128xi1>, vector<8x128xf32>
    %eq3A_15 = arith.constant 0 : i32
    %eq3A_16 = vector.broadcast %eq3A_15 : i32 to vector<8x128xi32>
    %eq3A_17 = arith.cmpi eq, %iota3A_8, %eq3A_16 : vector<8x128xi32>
    %eq3A_18 = arith.constant 1 : i32
    %eq3A_19 = vector.broadcast %eq3A_18 : i32 to vector<8x128xi32>
    %eq3A_20 = arith.cmpi eq, %iota3A, %eq3A_19 : vector<8x128xi32>
    %and3A_21 = arith.andi %eq3A_17, %eq3A_20 : vector<8x128xi1>
    %jit3A_22 = arith.constant 0.000000e+00 : f32
    %broadcast_in_dim3A_23 = vector.broadcast %jit3A_22 : f32 to vector<8x128xf32>
    %select_n3A_24 = arith.select %and3A_21, %broadcast_in_dim3A_23, %select_n3A : vector<8x128xi1>, vector<8x128xf32>
    %eq3A_25 = arith.constant 0 : i32
    %eq3A_26 = vector.broadcast %eq3A_25 : i32 to vector<8x128xi32>
    %eq3A_27 = arith.cmpi eq, %iota3A_8, %eq3A_26 : vector<8x128xi32>
    %eq3A_28 = arith.constant 2 : i32
    %eq3A_29 = vector.broadcast %eq3A_28 : i32 to vector<8x128xi32>
    %eq3A_30 = arith.cmpi eq, %iota3A, %eq3A_29 : vector<8x128xi32>
    %and3A_31 = arith.andi %eq3A_27, %eq3A_30 : vector<8x128xi1>
    %jit3A_32 = arith.constant 0.000000e+00 : f32
    %broadcast_in_dim3A_33 = vector.broadcast %jit3A_32 : f32 to vector<8x128xf32>
    %select_n3A_34 = arith.select %and3A_31, %broadcast_in_dim3A_33, %select_n3A_24 : vector<8x128xi1>, vector<8x128xf32>
    %eq3A_35 = arith.constant 0 : i32
    %eq3A_36 = vector.broadcast %eq3A_35 : i32 to vector<8x128xi32>
    %eq3A_37 = arith.cmpi eq, %iota3A_8, %eq3A_36 : vector<8x128xi32>
    %eq3A_38 = arith.constant 3 : i32
    %eq3A_39 = vector.broadcast %eq3A_38 : i32 to vector<8x128xi32>
    %eq3A_40 = arith.cmpi eq, %iota3A, %eq3A_39 : vector<8x128xi32>
    %and3A_41 = arith.andi %eq3A_37, %eq3A_40 : vector<8x128xi1>
    %jit3A_42 = arith.constant 0.000000e+00 : f32
    %broadcast_in_dim3A_43 = vector.broadcast %jit3A_42 : f32 to vector<8x128xf32>
    %select_n3A_44 = arith.select %and3A_41, %broadcast_in_dim3A_43, %select_n3A_34 : vector<8x128xi1>, vector<8x128xf32>
    %swap3A = arith.constant 0 : index
    %swap3A_45 = arith.constant 0 : index
    %swap3A_46 = vector.load %arg5[%swap3A, %swap3A_45] : memref<8x128xf32, #tpu.memory_space<vmem>>, vector<8x128xf32>
    tpu.vector_store %arg5[%swap3A, %swap3A_45], %select_n3A_44 {strides = array<i32>} : memref<8x128xf32, #tpu.memory_space<vmem>>, vector<8x128xf32>,
    return
  }
}

</mosaic_0001>

<sc_bundles>
// kernel: kernel.4.cloned.1.call-start
scs
__scs_entry_jumppad:
0x0: {  	(pc) =	sbr.rel $0x88, $3  }
0x1: {  	(tag) =	ssettag $0x0;
	lr =	simm.s32 $0x1  }
0x2: {  	[smem:$0x3F9F] =	sst lr;
	_ =	strace $0xD0000000  }
0x3: {  	_ = 	snop  }
0x4: {  	_ = 	snop  }
0x5: {  	_ = 	snop  }
0x6: {  	_ = 	snop  }
0x7: {  	_ = 	snop  }
__scs_overlays_trampoline_lowered:
0x8: {  	[smem:$0x3FAE] =	sst s0  }
0x9: {  	[smem:$0x3FAF] =	sst s1  }
0xa: {  	[smem:$0x3FB0] =	sst s2  }
0xb: {  	[smem:$0x3FB1] =	sst s3  }
0xc: {  	[smem:$0x3FB2] =	sst s4  }
0xd: {  	[smem:$0x3FB3] =	sst s5  }
0xe: {  	[smem:$0x3FB4] =	sst s6  }
0xf: {  	[smem:$0x3FB5] =	sst s7  }
0x10: {  	[smem:$0x3FB6] =	sst s8  }
0x11: {  	[smem:$0x3FB7] =	sst s9;
	s0 =	simm.s32 @!p0 $0x0  }
0x12: {  	s1 =	sld [smem:$0x3F9D];
	s0 =	simm.s32 @p0 $0x1  }
0x13: {  	[smem:$0x3FB8] =	sst s0;
	s0 =	simm.s32 @!p1 $0x0  }
0x14: {  	s2 =	sld [smem:$0x3F9C];
	s0 =	simm.s32 @p1 $0x1  }
0x15: {  	[smem:$0x3FB9] =	sst s0;
	s0 =	simm.s32 @!p2 $0x0  }
0x16: {  	s3 =	sld [smem:$0x3FDB];
	s0 =	simm.s32 @p2 $0x1  }
0x17: {  	s4 =	simm.s32 $0x1BF5;
	[smem:$0x3FBB] =	sst s0  }
0x18: {  	s0 =	sld [smem:$0x3F9E];
	_ =	swait.ge [sflag:s4], $0x0  }
0x19: {  	s7 =	sld [smem:$0x3F9F]  }
0x1a: {  	s8 =	sadd.s32 $0xFFFFE003, lr  }
0x1b: {  	s9 =	sadd.s32 $0xFFFFFEF7, lr;
	s5 =	simm.s32 $0xFFFFFFFF;
	p2 =	slt.u32 s8, $0xFFFFF086  }
0x1c: {  	p1 =	slt.u32 s9, $0xF7A;
	s5 =	simm.s32 @!p2 $0x0  }
0x1d: {  	s5 =	simm.s32 @p1 $0x1;
	p0 =	seq.s32 s7, s2  }
0x1e: {  	s7 =	smul.u32 @!p0 $0xF7A, s2;
	p2 =	seq.s32 @!p0 s5, $0x0  }
0x1f: {  	s9 =	smul.u32 $0xF7A, s1;
	s8 =	simm.s32 @!p0 $0x1BF5;
	p2 =	por !p2, p0  }
0x20: {  	[sflag:s8] =	ssyncset.s32 @!p0 $0xFFFFF086;
	s6 =	sadd.s32 @!p0 s3, s7;
	s7 =	simm.s32 @!p0 $0x108  }
0x21: {  	s3 =	sadd.s32 s3, s9;
	s6 =	sadd.s32 @!p0 $0x88, s6;
	s7 =	simm.s32 @p2 $0x1082  }
0x22: {  	[simem:s7], [sflag:s8] =	dma.local @!p0 [hbm:s6], $0xF7A  }
0x23: {  	s9 =	sor.u32 $0xD0000000, s2;
	s6 =	simm.s32 $0x108;
	_ =	swait.ge @!p0 [sflag:s8], $0x0  }
0x24: {  	s3 =	sadd.s32 $0x88, s3;
	s6 =	simm.s32 @!p1 $0x1082;
	[sflag:s4] =	ssyncset.s32 $0xFFFFF086  }
0x25: {  	[simem:s6], [sflag:s4] =	dma.local [hbm:s3], $0xF7A  }
0x26: {  	[smem:$0x3F9F] =	sst s1;
	(tag) =	ssettag s2;
	_ =	strace s9  }
0x27: {  	s1 =	sld [smem:$0x3FAF]  }
0x28: {  	s2 =	sld [smem:$0x3FB0]  }
0x29: {  	s4 =	sld [smem:$0x3FB2]  }
0x2a: {  	p0 =	seq.s32 s5, $0x0;
	s5 =	sld [smem:$0x3FB3]  }
0x2b: {  	s6 =	sld [smem:$0x3FB4]  }
0x2c: {  	s7 =	sld [smem:$0x3FB5]  }
0x2d: {  	s3 =	simm.s32 $0x108;
	s8 =	sld [smem:$0x3FB6]  }
0x2e: {  	s3 =	simm.s32 @!p0 $0x1082;
	s9 =	sld [smem:$0x3FB7]  }
0x2f: {  	lr =	sadd.s32 s0, s3;
	s0 =	sld [smem:$0x3FAE]  }
0x30: {  	s3 =	sld [smem:$0x3FB1]  }
0x31: {  	[smem:$0x3FBA] =	sst s10  }
0x32: {  	s10 =	sld [smem:$0x3FB8];
	_ =	sdelay $0x3  }
0x33: {  	p0 =	seq.s32 s10, $0x1;
	s10 =	sld [smem:$0x3FBA];
	_ =	sdelay $0x3  }
0x34: {  	[smem:$0x3FBA] =	sst s10  }
0x35: {  	s10 =	sld [smem:$0x3FB9];
	_ =	sdelay $0x3  }
0x36: {  	p1 =	seq.s32 s10, $0x1;
	s10 =	sld [smem:$0x3FBA];
	_ =	sdelay $0x3  }
0x37: {  	[smem:$0x3FBA] =	sst s10  }
0x38: {  	s10 =	sld [smem:$0x3FBB]  }
0x39: {  	_ = 	snop;
	(pc) =	sbr.ind lr, $3  }
0x3a: {  	_ = 	snop  }
0x3b: {  	_ = 	snop  }
0x3c: {  	p2 =	seq.s32 s10, $0x1;
	s10 =	sld [smem:$0x3FBA]  }
0x3d: {  	_ =	shalt  }
0x3e: {  	_ =	shalt  }
0x3f: {  	_ =	shalt  }
0x40: {  	_ =	shalt  }
0x41: {  	_ =	shalt  }
0x42: {  	_ =	shalt  }
0x43: {  	_ =	shalt  }
0x44: {  	_ =	shalt  }
0x45: {  	_ =	shalt  }
0x46: {  	_ =	shalt  }
0x47: {  	_ =	shalt  }
0x48: {  	_ =	shalt  }
0x49: {  	_ =	shalt  }
0x4a: {  	_ =	shalt  }
0x4b: {  	_ =	shalt  }
0x4c: {  	_ =	shalt  }
0x4d: {  	_ =	shalt  }
0x4e: {  	_ =	shalt  }
0x4f: {  	_ =	shalt  }
0x50: {  	_ =	shalt  }
0x51: {  	_ =	shalt  }
0x52: {  	_ =	shalt  }
0x53: {  	_ =	shalt  }
0x54: {  	_ =	shalt  }
0x55: {  	_ =	shalt  }
0x56: {  	_ =	shalt  }
0x57: {  	_ =	shalt  }
0x58: {  	_ =	shalt  }
0x59: {  	_ =	shalt  }
0x5a: {  	_ =	shalt  }
0x5b: {  	_ =	shalt  }
0x5c: {  	_ =	shalt  }
0x5d: {  	_ =	shalt  }
0x5e: {  	_ =	shalt  }
0x5f: {  	_ =	shalt  }
0x60: {  	_ =	shalt  }
0x61: {  	_ =	shalt  }
0x62: {  	_ =	shalt  }
0x63: {  	_ =	shalt  }
0x64: {  	_ =	shalt  }
0x65: {  	_ =	shalt  }
0x66: {  	_ =	shalt  }
0x67: {  	_ =	shalt  }
0x68: {  	_ =	shalt  }
0x69: {  	_ =	shalt  }
0x6a: {  	_ =	shalt  }
0x6b: {  	_ =	shalt  }
0x6c: {  	_ =	shalt  }
0x6d: {  	_ =	shalt  }
0x6e: {  	_ =	shalt  }
0x6f: {  	_ =	shalt  }
0x70: {  	_ =	shalt  }
0x71: {  	_ =	shalt  }
0x72: {  	_ =	shalt  }
0x73: {  	_ =	shalt  }
0x74: {  	_ =	shalt  }
0x75: {  	_ =	shalt  }
0x76: {  	_ =	shalt  }
0x77: {  	_ =	shalt  }
0x78: {  	_ =	shalt  }
0x79: {  	_ =	shalt  }
0x7a: {  	_ =	shalt  }
0x7b: {  	_ =	shalt  }
0x7c: {  	_ =	shalt  }
0x7d: {  	_ =	shalt  }
0x7e: {  	_ =	shalt  }
0x7f: {  	_ =	shalt  }
0x80: {  	_ =	shalt  }
0x81: {  	_ =	shalt  }
0x82: {  	_ =	shalt  }
0x83: {  	_ =	shalt  }
0x84: {  	_ =	shalt  }
0x85: {  	_ =	shalt  }
0x86: {  	_ =	shalt  }
0x87: {  	_ =	shalt  }
.Lfunc_end0:
.L_simem_size_0:
called_computation_lowered:
.L_overlay_start_0:
0x88: {  	s2 =	sld [smem:$0x3FD9]  }
0x89: {  	s3 =	sld [smem:$0x3FFE];
	_ =	sdelay $0x1  }
0x8a: {  	s1 =	srdreg.scid  }
0x8b: {  	s0 =	sand.u32 $0x1, s1  }
0x8c: {  	s16 =	sshll.u32 s0, $0xA;
	s2 =	sadd.s32 s3, s2  }
0x8d: {  	s2 =	sadd.s32 s2, s16  }
0x8e: {  	[smem:$0x3FC6] =	sst s2  }
0x8f: {  	_ = 	snop  }
0x90: {  	(tm) =	ssettm $0x1  }
0x91: {  	s17 =	sld [smem:$0x3FFB];
	_ =	sdelay $0x3  }
0x92: {  	_ =	strace s17  }
0x93: {  	s2 =	sld [smem:$0x3FFC];
	_ =	sdelay $0x3  }
0x94: {  	_ =	strace s2  }
0x95: {  	s2 =	sld [smem:$0x3FFD];
	_ =	sdelay $0x3  }
0x96: {  	_ =	strace s2  }
0x97: {  	_ =	strace $0x8FFFFFFF  }
0x98: {  	s18 =	sld [smem:$0x3FDB];
	_ =	sdelay $0x1  }
0x99: {  	s19 =	simm.s32 $_scs_section_size  }
0x9a: {  	s4 =	simm.s32 $_size__tile_overlayer_lowered;
	s5 =	simm.s32 $_tile_overlayer_lowered  }
0x9b: {  	s22 =	simm.s32 $0x1BFF;
	s21 =	sshll.u32 s5, $0x1;
	s2 =	sadd.s32 s19, s18  }
0x9c: {  	s6 =	simm.s32 $0x0;
	s20 =	sshll.u32 s4, $0x1;
	s4 =	sadd.s32 s21, s2  }
0x9d: {  	[timem:s6], [sflag:s22] =	dma.local [hbm:s4], s20  }
0x9e: {  	_ =	swait.ge [sflag:s22], s20  }
0x9f: {  	s3 =	ssub.s32 $0x0, s20;
	[sflag:s22] =	ssyncset.done $0x0  }
0xa0: {  	[sflag:s22] =	ssyncadd.s32 s3;
	_ =	sdelay $0x1  }
0xa1: {  	s23 =	simm.s32 $0x1B8B  }
0xa2: {  	_ =	swait.ge [sflag:s23], $0x1  }
0xa3: {  	[sflag:s23] =	ssyncset.done $0x0  }
0xa4: {  	s25 =	simm.s32 $0x1B8E;
	s24 =	sld [smem:$0x3FFE];
	[sflag:s23] =	ssyncadd.s32 $0xFFFFFFFF  }
0xa5: {  	s26 =	simm.s32 $execute0_lowered;
	[smem:$0x3FD2] =	sst s25  }
0xa6: {  	s4 =	sshll.u32 s26, $0x1;
	_ =	strace $0x80000046;
	[dreg:$0x1] =	wrdreg $0xFFFFFFFF  }
0xa7: {  	s28 =	simm.s32 $_size_execute0_lowered;
	s2 =	sadd.s32 s2, s4;
	[dreg:$0x0] =	wrdreg $0x0  }
0xa8: {  	s4 =	sshll.u32 s28, $0x1;
	[dreg:$0x2] =	wrdreg s2  }
0xa9: {  	[dreg:$0x3] =	wrdreg s4  }
0xaa: {  	[dreg:$0x4] =	wrdreg $0xC0  }
0xab: {  	_ =	task [dreg:s6], $0x5FFFF  }
0xac: {  	[dreg:$0x1] =	wrdreg $0xFFFFFFFF  }
0xad: {  	[dreg:$0x0] =	wrdreg $0x60  }
0xae: {  	[dreg:$0x2] =	wrdreg s24  }
0xaf: {  	[dreg:$0x3] =	wrdreg $0x9  }
0xb0: {  	_ =	task.clear_ibuf [dreg:s6], $0x4FFFF;
	_ =	strace $0x90000046  }
0xb1: {  	s29 =	simm.s32 $0x9;
	_ =	strace $0x80000048  }
0xb2: {  	_ =	swait.ge [sflag:s29], $0x1  }
0xb3: {  	[sflag:s29] =	ssyncadd.s32 $0xFFFFFFFF  }
0xb4: {  	_ =	strace $0x90000048  }
0xb5: {  	_ =	sfence  }
0xb6: {  	s30 =	sld [smem:$0x0];
	_ =	sdelay $0x2  }
0xb7: {  	s31 =	sshll.u32 s1, $0xD;
	s1 =	sshrl.u32 s1, $0x2  }
0xb8: {  	s3 =	sand.u32 $0x4000, s31;
	s1 =	sadd.s32 s1, s30  }
0xb9: {  	s0 =	sor.u32 s3, s0;
	s1 =	sshll.u32 s1, $0x11  }
0xba: {  	s0 =	sor.u32 s1, s0  }
0xbb: {  	s0 =	sadd.s32 $0x8F2B, s0  }
0xbc: {  	[sflag:s0] =	ssyncadd.remote.s32 $0x1  }
0xbd: {  	_ =	sfence.sel $0xFFFF  }
0xbe: {  	[dreg:$0x0] =	wrdreg $0xFFFFFFFF;
	(pc) =	sbr.abs _section_cstart, $3  }
0xbf: {  	[dreg:$0x1] =	wrdreg $0xFFFFFFFF  }
0xc0: {  	_ =	task.clear_ibuf [dreg:s6], $0x2FFFF;
	_ =	strace $0x9FFFFFFF  }
0xc1: {  	(tm) =	ssettm $0x7FFFFFFF  }
tec
execute0_lowered:
.L_overlay_start_1:
0x0: {  	(tag) =	ssettag $0x1  }
0x1: {  	s0 =	srdreg.scid  }
0x2: {  	s1 =	stileid.u32;
	s6 =	sand.u32 $0x1, s0  }
0x3: {  	s3 =	sor.u32 s1, s6  }
0x4: {  	p0 =	sne.s32 s3, $0x0  }
.Ltmp0:
0x5: {  	_ = 	snop;
	(pc) =	sbr.rel @p0 .LBB2_4-.Ltmp0, $4  }
0x6: {  	_ = 	snop  }
0x7: {  	s5 =	rddreg [dreg:$0x0];
	s2 =	simm.s32 $0x0  }
0x8: {  	[smem:$0x7FF] =	sst s2  }
0x9: {  	s0 =	rddreg [dreg:$0x1];
	_ =	strace $0x80000047  }
0xa: {  	s4 =	sadd.s32 $0xE00, s5;
	s6 =	ssub.s32 $0x2, s6  }
0xb: {  	[tilespmem:s2], [sflag:$0x1] =	stream.linear.gather [hbm4b:s4+s2], $0x10, $0x38;
	[tilespmem:$0x80] =	vst v63  }
0xc: {  	s7 =	sshrl.u32 s6, $0x1  }
0xd: {  	s3 =	simm.s32 $0x1;
	s6 =	ssub.s32 s6, s7  }
0xe: {  	_ =	swait.ge [sflag:s3], $0x10;
	p0 =	sne.s32 s6, $0x1  }
.Ltmp1:
0xf: {  	[sflag:s3] =	ssyncset.done $0x0;
	(pc) =	sbr.rel @!p0 .LBB2_3-.Ltmp1, $4  }
0x10: {  	s5 =	sadd.s32 $0x258E00, s5;
	[sflag:s3] =	ssyncadd.s32 $0xFFFFFFF0  }
0x11: {  	[hbm4b:s5+s2] =	stream.linear.scatter [tilespmem:s2], [sflag:$0x1], $0x80, $0x38;
	[tilespmem:$0x80] =	vst v63  }
0x12: {  	_ =	swait.ge [sflag:s3], $0x80  }
0x13: {  	s6 =	sadd.s32 $0xFFFFFFFF, s6;
	[sflag:s3] =	ssyncset.done $0x0  }
.LBB2_2:
0x14: {  	p0 =	sne.s32 s6, $0x1;
	s6 =	sadd.s32 $0xFFFFFFFF, s6;
	[sflag:s3] =	ssyncadd.s32 $0xFFFFFF80  }
0x15: {  	[tilespmem:s2], [sflag:$0x1] =	stream.linear.gather [hbm4b:s4+s2], $0x10, $0x38;
	[tilespmem:$0x80] =	vst v63  }
0x16: {  	_ =	swait.ge [sflag:s3], $0x10  }
.Ltmp2:
0x17: {  	[sflag:s3] =	ssyncset.done $0x0;
	(pc) =	sbr.rel @p0 .LBB2_2-.Ltmp2, $4  }
0x18: {  	[sflag:s3] =	ssyncadd.s32 $0xFFFFFFF0  }
0x19: {  	[hbm4b:s5+s2] =	stream.linear.scatter [tilespmem:s2], [sflag:$0x1], $0x80, $0x38;
	[tilespmem:$0x80] =	vst v63  }
0x1a: {  	_ =	swait.ge [sflag:s3], $0x80  }
0x1b: {  	[sflag:s3] =	ssyncset.done $0x0  }
.LBB2_3:
0x1c: {  	[sflag:s3] =	ssyncadd.s32 $0xFFFFFF80  }
.LBB2_4:
0x1d: {  	_ =	sfence.sel $0x180000  }
0x1e: {  	[bflag:$0x0] =	sbarrier.arrive $0xFFFF  }
0x1f: {  	p0 =	sne.s32 s1, $0x0;
	_ =	strace $0x90000047  }
0x20: {  	s0 =	sadd.s32 @!p0 $0x100000, s0;
	[bflag:$0x2] =	sbarrier.arrive $0xFFFF  }
0x21: {  	[sflag:s0] =	ssyncadd.tile.s32 @!p0 $0x1;
	_ =	shalt  }
.Lfunc_end2:
_tile_overlayer_lowered:
.L_overlay_start_2:
0x22: {  	(tag) =	ssettag $0x2  }
0x23: {  	s0 =	rddreg [dreg:$0x0];
	s2 =	stileid.u32  }
0x24: {  	s1 =	rddreg [dreg:$0x1];
	p0 =	sne.s32 s2, $0x0  }
0x25: {  	s3 =	rddreg [dreg:$0x2];
	[bflag:$0x3] =	sbarrier.arrive $0xFFFF;
	s2 =	simm.s32 @!p0 $0x1C01  }
0x26: {  	[timem:s3], [sflag:s2] =	dma.local @!p0 [hbm:s0], s1  }
0x27: {  	s0 =	simm.s32 @!p0 $0x1  }
0x28: {  	_ =	swait.ge @!p0 [sflag:s0], s1  }
0x29: {  	s1 =	ssub.s32 @!p0 $0x0, s1;
	[sflag:s0] =	ssyncset.done @!p0 $0x0  }
0x2a: {  	[sflag:s0] =	ssyncadd.s32 @!p0 s1  }
0x2b: {  	[bflag:$0x3] =	sbarrier.arrive $0xFFFF  }
0x2c: {  	_ =	shalt  }

</sc_bundles>
